<compile_context>
chip_gen: v7x
topology: tpu7x:2x2x1
jax: 0.10.2.dev20260603
libtpu: 0.0.44.dev20260713+nightly
codegen_flags: <defaults>
</compile_context>

<pallas_src>
import functools

import jax
import jax.numpy as jnp
from jax import lax
from jax.experimental import pallas as pl
from jax.experimental.pallas import tpu as pltpu
from jax.experimental.pallas import tpu_sc as plsc

B = 4096
CTX = 50
D = 128
NC, NS = 2, 16
NW = NC * NS
ROWS_W = B // NW
NCH = ROWS_W * CTX // 128

VBLK = 512
NR = 32


def _sc_embedding_bag(ctx3, emb, dest3, zeros_blk):
    mesh = plsc.VectorSubcoreMesh(core_axis_name="c", subcore_axis_name="s")

    @functools.partial(
        pl.kernel,
        mesh=mesh,
        out_type=jax.ShapeDtypeStruct((B, D), jnp.float32),
        scratch_types=[
            pltpu.VMEM((NCH, 128), jnp.int32),
            pltpu.VMEM((NCH, 128), jnp.int32),
            pltpu.VMEM((128, D), jnp.float32),
            pltpu.VMEM_SHARED((NS * ROWS_W, D), jnp.float32),
            pltpu.SemaphoreType.DMA,
        ],
    )
    def k(ctx_hbm, emb_hbm, dest_hbm, zero_hbm, x_hbm, idx_v, dest_v, buf_v,
          acc_sh, sem):
        c = lax.axis_index("c")
        s = lax.axis_index("s")
        wid = c * NS + s
        pltpu.sync_copy(ctx_hbm.at[wid], idx_v)
        pltpu.sync_copy(dest_hbm.at[s], dest_v)
        pltpu.sync_copy(zero_hbm, acc_sh.at[pl.ds(s * ROWS_W, ROWS_W)])

        def body(j, carry):
            pltpu.async_copy(emb_hbm.at[idx_v.at[j]], buf_v, sem).wait()
            pltpu.sync_copy(buf_v, acc_sh.at[dest_v.at[j]], add=True)
            return carry

        lax.fori_loop(0, NCH, body, 0)
        pltpu.sync_copy(acc_sh.at[pl.ds(s * ROWS_W, ROWS_W)],
                        x_hbm.at[pl.ds(wid * ROWS_W, ROWS_W)])

    return k(ctx3, emb, dest3, zeros_blk)


def _lse_body(x_ref, w_ref, b_ref, lse_ref, main_ref, tail_ref, s_ref, *,
              nfull):
    v = pl.program_id(0)

    @pl.when(v == 0)
    def _():
        s_ref[...] = jnp.zeros((B, 128), jnp.float32)

    logits = lax.dot_general(
        x_ref[...], w_ref[...], (((1,), (1,)), ((), ())),
        preferred_element_type=jnp.float32) + b_ref[...]

    @pl.when(v < nfull)
    def _():
        main_ref[...] = logits.astype(jnp.bfloat16)

    @pl.when(v == nfull)
    def _():
        tail_ref[...] = logits.astype(jnp.bfloat16)

    e = jnp.exp(logits)
    acc = e[:, 0:128]
    for c in range(128, VBLK, 128):
        acc = acc + e[:, c:c + 128]
    s_ref[...] += acc

    @pl.when(v == nfull)
    def _():
        lse_ref[...] = jnp.log(
            jnp.sum(s_ref[...], axis=1, keepdims=True))


def _final_body(m_ref, t_ref, lse_ref, o_ref, *, main, tail):
    lse = lse_ref[...]
    o_ref[:, :main] = m_ref[...].astype(jnp.float32) - lse
    o_ref[:, main:] = t_ref[:, :tail].astype(jnp.float32) - lse


def kernel(context, emb, W, b):
    vocab = W.shape[0]
    vpad = ((vocab + VBLK - 1) // VBLK) * VBLK
    nv = vpad // VBLK
    nfull = vocab // VBLK
    tail = vocab - nfull * VBLK

    ctx3 = context.astype(jnp.int32).reshape(NW, NCH, 128)
    local_dest = jnp.arange(ROWS_W * CTX, dtype=jnp.int32) // CTX
    dest3 = (jnp.arange(NS, dtype=jnp.int32)[:, None] * ROWS_W
             + local_dest[None, :]).reshape(NS, NCH, 128)
    zeros_blk = jnp.zeros((ROWS_W, D), jnp.float32)
    x_sum = _sc_embedding_bag(ctx3, emb, dest3, zeros_blk)

    xb = x_sum.astype(jnp.bfloat16)
    w_scaled = (W * (1.0 / CTX)).astype(jnp.bfloat16)
    w_pad = jnp.concatenate(
        [w_scaled, jnp.zeros((vpad - vocab, D), jnp.bfloat16)], axis=0)
    b_pad = jnp.concatenate(
        [b, jnp.full((vpad - vocab,), -1e9, jnp.float32)]).reshape(1, vpad)

    lse, main_bf, tail_bf = pl.pallas_call(
        functools.partial(_lse_body, nfull=nfull),
        grid=(nv,),
        in_specs=[
            pl.BlockSpec((B, D), lambda v: (0, 0)),
            pl.BlockSpec((VBLK, D), lambda v: (v, 0)),
            pl.BlockSpec((1, VBLK), lambda v: (0, v)),
        ],
        out_specs=[
            pl.BlockSpec((B, 1), lambda v: (0, 0)),
            pl.BlockSpec((B, VBLK),
                         lambda v: (0, jnp.minimum(v, nfull - 1))),
            pl.BlockSpec((B, VBLK), lambda v: (0, 0)),
        ],
        out_shape=[
            jax.ShapeDtypeStruct((B, 1), jnp.float32),
            jax.ShapeDtypeStruct((B, nfull * VBLK), jnp.bfloat16),
            jax.ShapeDtypeStruct((B, VBLK), jnp.bfloat16),
        ],
        scratch_shapes=[
            pltpu.VMEM((B, 128), jnp.float32),
        ],
        compiler_params=pltpu.CompilerParams(
            dimension_semantics=("arbitrary",)),
    )(xb, w_pad, b_pad)

    cat = jnp.concatenate([main_bf, tail_bf[:, :tail]], axis=1)
    return cat.astype(jnp.float32) - lse

# --- scband reference (transcript-rebuilt; emitter-appended) ---
"""Pipeline reference for scband-word2-vec-model-9869834846239 (READ-ONLY COPY).

The authoritative reference and input builder live on the scoring server;
editing this copy changes nothing except your own understanding.
"""

import jax, jax.numpy as jnp
import numpy as np

CORPUS_SIZE = 100000
EM_DIM = 128
PAD_IDX = CORPUS_SIZE  # padding row is the last row of the table
BATCH = 4096
CTX = 50


def setup_inputs(seed: int = 0) -> dict:
    key = jax.random.key(seed)
    k1, k2, k3, k4 = jax.random.split(key, 4)
    context = jax.random.randint(k1, (BATCH, CTX), 0, CORPUS_SIZE + 1, dtype=jnp.int64)
    emb = jax.random.normal(k2, (CORPUS_SIZE + 1, EM_DIM), dtype=jnp.float32)
    emb = emb.at[PAD_IDX].set(0.0)  # nn.Embedding padding_idx row initialized to zeros
    # nn.Linear default init: U(-1/sqrt(fan_in), 1/sqrt(fan_in))
    bound = 1.0 / np.sqrt(EM_DIM)
    W = jax.random.uniform(k3, (CORPUS_SIZE, EM_DIM), dtype=jnp.float32, minval=-bound, maxval=bound)
    b = jax.random.uniform(k4, (CORPUS_SIZE,), dtype=jnp.float32, minval=-bound, maxval=bound)
    return {"context": context, "emb": emb, "W": W, "b": b}


def reference(context, emb, W, b):
    # enforce padding row = 0 (as nn.Embedding with padding_idx keeps it)
    emb_eff = emb.at[PAD_IDX].set(0.0)
    x = jnp.take(emb_eff, context, axis=0)          # [B, CTX, D] gather (SparseCore embedding lookup)
    x = x.mean(axis=1)                               # CBOW mean over context window
    logits = x @ W.T + b                             # [B, CORPUS_SIZE]
    return jax.nn.log_softmax(logits, axis=1)

if __name__ == "__main__":
    import jax
    _d = setup_inputs()
    print(jax.jit(kernel)(*tuple(_d.values())))

</pallas_src>

<mosaic_0001>
#map = affine_map<(d0, d1) -> (0, 0, 0)>
#map1 = affine_map<(d0, d1) -> (0, 0)>
module attributes {stable_mosaic.version = 14 : i64} {
  func.func @k(%arg0: i32, %arg1: i32, %arg2: memref<32x50x128xi32, #tpu.memory_space<hbm>>, %arg3: memref<100001x128xf32, #tpu.memory_space<hbm>>, %arg4: memref<16x50x128xi32, #tpu.memory_space<hbm>>, %arg5: memref<128x128xf32, #tpu.memory_space<hbm>>, %arg6: memref<4096x128xf32, #tpu.memory_space<hbm>>, %arg7: memref<50x128xi32, #tpu.memory_space<vmem>>, %arg8: memref<50x128xi32, #tpu.memory_space<vmem>>, %arg9: memref<128x128xf32, #tpu.memory_space<vmem>>, %arg10: memref<2048x128xf32, #tpu.memory_space<vmem_shared>>, %arg11: memref<!tpu.dma_semaphore, #tpu.memory_space<semaphore_mem>>) attributes {dimension_semantics = [#tpu.dimension_semantics<core_parallel>, #tpu.dimension_semantics<subcore_parallel>], iteration_bounds = array<i64: 2, 16>, scalar_prefetch = 0 : i64, scratch_operands = 5 : i64, tpu.core_type = #tpu.core_type<sc_vector_subcore>, window_params = [{transform_indices = #map}, {transform_indices = #map1}, {transform_indices = #map}, {transform_indices = #map1}, {transform_indices = #map1}]} {
    %mul3A = arith.constant 16 : i32
    %mul3A_0 = arith.muli %arg0, %mul3A : i32
    %add3A = arith.addi %mul3A_0, %arg1 : i32
    "tpu.region"() ({
      %run_scoped3A = tpu.sem_alloc : memref<!tpu.dma_semaphore, #tpu.memory_space<semaphore_mem>>
      %dma_start3A = arith.constant 0 : i32
      %dma_start3A_12 = arith.constant 0 : i32
      %dma_start3A_13 = tpu.memref_slice %arg2[%add3A, %dma_start3A, %dma_start3A_12] : memref<32x50x128xi32, #tpu.memory_space<hbm>> -> memref<1x50x128xi32, #tpu.memory_space<hbm>>
      %dma_start3A_14 = tpu.memref_squeeze %dma_start3A_13 : memref<1x50x128xi32, #tpu.memory_space<hbm>> -> memref<50x128xi32, #tpu.memory_space<hbm>>
      %dma_start3A_15 = arith.constant 0 : i32
      %dma_start3A_16 = arith.constant 0 : i32
      %dma_start3A_17 = tpu.memref_slice %arg2[%add3A, %dma_start3A_15, %dma_start3A_16] : memref<32x50x128xi32, #tpu.memory_space<hbm>> -> memref<1x50x128xi32, #tpu.memory_space<hbm>>
      %dma_start3A_18 = tpu.memref_squeeze %dma_start3A_17 : memref<1x50x128xi32, #tpu.memory_space<hbm>> -> memref<50x128xi32, #tpu.memory_space<hbm>>
      tpu.enqueue_dma source(%dma_start3A_18 : memref<50x128xi32, #tpu.memory_space<hbm>>) target(%arg7 : memref<50x128xi32, #tpu.memory_space<vmem>>) target_semaphore(%run_scoped3A : memref<!tpu.dma_semaphore, #tpu.memory_space<semaphore_mem>>)
      %dma_wait3A = arith.constant 0 : i32
      %dma_wait3A_19 = arith.constant 0 : i32
      %dma_wait3A_20 = tpu.memref_slice %arg2[%add3A, %dma_wait3A, %dma_wait3A_19] : memref<32x50x128xi32, #tpu.memory_space<hbm>> -> memref<1x50x128xi32, #tpu.memory_space<hbm>>
      %dma_wait3A_21 = tpu.memref_squeeze %dma_wait3A_20 : memref<1x50x128xi32, #tpu.memory_space<hbm>> -> memref<50x128xi32, #tpu.memory_space<hbm>>
      %dma_wait3A_22 = arith.constant 0 : i32
      %dma_wait3A_23 = arith.constant 0 : i32
      %dma_wait3A_24 = tpu.memref_slice %arg2[%add3A, %dma_wait3A_22, %dma_wait3A_23] : memref<32x50x128xi32, #tpu.memory_space<hbm>> -> memref<1x50x128xi32, #tpu.memory_space<hbm>>
      %dma_wait3A_25 = tpu.memref_squeeze %dma_wait3A_24 : memref<1x50x128xi32, #tpu.memory_space<hbm>> -> memref<50x128xi32, #tpu.memory_space<hbm>>
      tpu.wait_dma2 semaphore(%run_scoped3A : memref<!tpu.dma_semaphore, #tpu.memory_space<semaphore_mem>>) src(%dma_wait3A_25 : memref<50x128xi32, #tpu.memory_space<hbm>>) dst(%arg7 : memref<50x128xi32, #tpu.memory_space<vmem>>)
      tpu.yield
    }) : () -> ()
    "tpu.region"() ({
      %run_scoped3A = tpu.sem_alloc : memref<!tpu.dma_semaphore, #tpu.memory_space<semaphore_mem>>
      %dma_start3A = arith.constant 0 : i32
      %dma_start3A_12 = arith.constant 0 : i32
      %dma_start3A_13 = tpu.memref_slice %arg4[%arg1, %dma_start3A, %dma_start3A_12] : memref<16x50x128xi32, #tpu.memory_space<hbm>> -> memref<1x50x128xi32, #tpu.memory_space<hbm>>
      %dma_start3A_14 = tpu.memref_squeeze %dma_start3A_13 : memref<1x50x128xi32, #tpu.memory_space<hbm>> -> memref<50x128xi32, #tpu.memory_space<hbm>>
      %dma_start3A_15 = arith.constant 0 : i32
      %dma_start3A_16 = arith.constant 0 : i32
      %dma_start3A_17 = tpu.memref_slice %arg4[%arg1, %dma_start3A_15, %dma_start3A_16] : memref<16x50x128xi32, #tpu.memory_space<hbm>> -> memref<1x50x128xi32, #tpu.memory_space<hbm>>
      %dma_start3A_18 = tpu.memref_squeeze %dma_start3A_17 : memref<1x50x128xi32, #tpu.memory_space<hbm>> -> memref<50x128xi32, #tpu.memory_space<hbm>>
      tpu.enqueue_dma source(%dma_start3A_18 : memref<50x128xi32, #tpu.memory_space<hbm>>) target(%arg8 : memref<50x128xi32, #tpu.memory_space<vmem>>) target_semaphore(%run_scoped3A : memref<!tpu.dma_semaphore, #tpu.memory_space<semaphore_mem>>)
      %dma_wait3A = arith.constant 0 : i32
      %dma_wait3A_19 = arith.constant 0 : i32
      %dma_wait3A_20 = tpu.memref_slice %arg4[%arg1, %dma_wait3A, %dma_wait3A_19] : memref<16x50x128xi32, #tpu.memory_space<hbm>> -> memref<1x50x128xi32, #tpu.memory_space<hbm>>
      %dma_wait3A_21 = tpu.memref_squeeze %dma_wait3A_20 : memref<1x50x128xi32, #tpu.memory_space<hbm>> -> memref<50x128xi32, #tpu.memory_space<hbm>>
      %dma_wait3A_22 = arith.constant 0 : i32
      %dma_wait3A_23 = arith.constant 0 : i32
      %dma_wait3A_24 = tpu.memref_slice %arg4[%arg1, %dma_wait3A_22, %dma_wait3A_23] : memref<16x50x128xi32, #tpu.memory_space<hbm>> -> memref<1x50x128xi32, #tpu.memory_space<hbm>>
      %dma_wait3A_25 = tpu.memref_squeeze %dma_wait3A_24 : memref<1x50x128xi32, #tpu.memory_space<hbm>> -> memref<50x128xi32, #tpu.memory_space<hbm>>
      tpu.wait_dma2 semaphore(%run_scoped3A : memref<!tpu.dma_semaphore, #tpu.memory_space<semaphore_mem>>) src(%dma_wait3A_25 : memref<50x128xi32, #tpu.memory_space<hbm>>) dst(%arg8 : memref<50x128xi32, #tpu.memory_space<vmem>>)
      tpu.yield
    }) : () -> ()
    %mul3A_1 = arith.constant 128 : i32
    %mul3A_2 = arith.muli %arg1, %mul3A_1 : i32
    "tpu.region"() ({
      %run_scoped3A = tpu.sem_alloc : memref<!tpu.dma_semaphore, #tpu.memory_space<semaphore_mem>>
      %dma_start3A = arith.constant 0 : i32
      %dma_start3A_12 = tpu.memref_slice %arg10[%mul3A_2, %dma_start3A] : memref<2048x128xf32, #tpu.memory_space<vmem_shared>> -> memref<128x128xf32, #tpu.memory_space<vmem_shared>>
      tpu.enqueue_dma source(%arg5 : memref<128x128xf32, #tpu.memory_space<hbm>>) target(%dma_start3A_12 : memref<128x128xf32, #tpu.memory_space<vmem_shared>>) target_semaphore(%run_scoped3A : memref<!tpu.dma_semaphore, #tpu.memory_space<semaphore_mem>>)
      %dma_wait3A = arith.constant 0 : i32
      %dma_wait3A_13 = tpu.memref_slice %arg10[%mul3A_2, %dma_wait3A] : memref<2048x128xf32, #tpu.memory_space<vmem_shared>> -> memref<128x128xf32, #tpu.memory_space<vmem_shared>>
      tpu.wait_dma2 semaphore(%run_scoped3A : memref<!tpu.dma_semaphore, #tpu.memory_space<semaphore_mem>>) src(%arg5 : memref<128x128xf32, #tpu.memory_space<hbm>>) dst(%dma_wait3A_13 : memref<128x128xf32, #tpu.memory_space<vmem_shared>>)
      tpu.yield
    }) : () -> ()
    %scan3A = arith.constant 0 : i32
    %scan3A_3 = arith.constant 0 : i32
    %scan3A_4 = arith.constant 50 : i32
    %scan3A_5 = arith.addi %scan3A_3, %scan3A_4 : i32
    %scan3A_6 = arith.constant 1 : i32
    scf.for %scan3A_12 = %scan3A_3 to %scan3A_5 step %scan3A_6  : i32 {
      %dma_start3A = arith.constant 0 : i32
      %dma_start3A_13 = tpu.memref_slice %arg7[%scan3A_12, %dma_start3A] : memref<50x128xi32, #tpu.memory_space<vmem>> -> memref<1x128xi32, #tpu.memory_space<vmem>>
      %dma_start3A_14 = tpu.memref_squeeze %dma_start3A_13 : memref<1x128xi32, #tpu.memory_space<vmem>> -> memref<128xi32, #tpu.memory_space<vmem>>
      %dma_start3A_15 = arith.constant 0 : i32
      %dma_start3A_16 = arith.constant 0 : i32
      %dma_start3A_17 = tpu.memref_slice %arg3[%dma_start3A_15, %dma_start3A_16] : memref<100001x128xf32, #tpu.memory_space<hbm>> -> memref<100001x128xf32, #tpu.memory_space<hbm>>
      tpu.enqueue_indirect_dma source(%dma_start3A_17 : memref<100001x128xf32, #tpu.memory_space<hbm>>) target(%arg9 : memref<128x128xf32, #tpu.memory_space<vmem>>) offsets(%dma_start3A_14 : memref<128xi32, #tpu.memory_space<vmem>>) semaphore(%arg11 : memref<!tpu.dma_semaphore, #tpu.memory_space<semaphore_mem>>)
      %dma_wait3A = arith.constant 0 : i32
      %dma_wait3A_18 = tpu.memref_slice %arg7[%scan3A_12, %dma_wait3A] : memref<50x128xi32, #tpu.memory_space<vmem>> -> memref<1x128xi32, #tpu.memory_space<vmem>>
      %dma_wait3A_19 = tpu.memref_squeeze %dma_wait3A_18 : memref<1x128xi32, #tpu.memory_space<vmem>> -> memref<128xi32, #tpu.memory_space<vmem>>
      %dma_wait3A_20 = arith.constant 0 : i32
      %dma_wait3A_21 = arith.constant 0 : i32
      %dma_wait3A_22 = tpu.memref_slice %arg3[%dma_wait3A_20, %dma_wait3A_21] : memref<100001x128xf32, #tpu.memory_space<hbm>> -> memref<100001x128xf32, #tpu.memory_space<hbm>>
      tpu.wait_indirect_dma semaphore(%arg11 : memref<!tpu.dma_semaphore, #tpu.memory_space<semaphore_mem>>) src(%dma_wait3A_22 : memref<100001x128xf32, #tpu.memory_space<hbm>>) dst(%arg9 : memref<128x128xf32, #tpu.memory_space<vmem>>)
      "tpu.region"() ({
        %run_scoped3A = tpu.sem_alloc : memref<!tpu.dma_semaphore, #tpu.memory_space<semaphore_mem>>
        %dma_start3A_23 = arith.constant 0 : i32
        %dma_start3A_24 = tpu.memref_slice %arg8[%scan3A_12, %dma_start3A_23] : memref<50x128xi32, #tpu.memory_space<vmem>> -> memref<1x128xi32, #tpu.memory_space<vmem>>
        %dma_start3A_25 = tpu.memref_squeeze %dma_start3A_24 : memref<1x128xi32, #tpu.memory_space<vmem>> -> memref<128xi32, #tpu.memory_space<vmem>>
        %dma_start3A_26 = arith.constant 0 : i32
        %dma_start3A_27 = arith.constant 0 : i32
        %dma_start3A_28 = tpu.memref_slice %arg10[%dma_start3A_26, %dma_start3A_27] : memref<2048x128xf32, #tpu.memory_space<vmem_shared>> -> memref<2048x128xf32, #tpu.memory_space<vmem_shared>>
        tpu.enqueue_indirect_dma source(%arg9 : memref<128x128xf32, #tpu.memory_space<vmem>>) target(%dma_start3A_28 : memref<2048x128xf32, #tpu.memory_space<vmem_shared>>) offsets(%dma_start3A_25 : memref<128xi32, #tpu.memory_space<vmem>>) semaphore(%run_scoped3A : memref<!tpu.dma_semaphore, #tpu.memory_space<semaphore_mem>>) {add = true}
        %dma_wait3A_29 = arith.constant 0 : i32
        %dma_wait3A_30 = tpu.memref_slice %arg8[%scan3A_12, %dma_wait3A_29] : memref<50x128xi32, #tpu.memory_space<vmem>> -> memref<1x128xi32, #tpu.memory_space<vmem>>
        %dma_wait3A_31 = tpu.memref_squeeze %dma_wait3A_30 : memref<1x128xi32, #tpu.memory_space<vmem>> -> memref<128xi32, #tpu.memory_space<vmem>>
        %dma_wait3A_32 = arith.constant 0 : i32
        %dma_wait3A_33 = arith.constant 0 : i32
        %dma_wait3A_34 = tpu.memref_slice %arg10[%dma_wait3A_32, %dma_wait3A_33] : memref<2048x128xf32, #tpu.memory_space<vmem_shared>> -> memref<2048x128xf32, #tpu.memory_space<vmem_shared>>
        tpu.wait_indirect_dma semaphore(%run_scoped3A : memref<!tpu.dma_semaphore, #tpu.memory_space<semaphore_mem>>) src(%arg9 : memref<128x128xf32, #tpu.memory_space<vmem>>) dst(%dma_wait3A_34 : memref<2048x128xf32, #tpu.memory_space<vmem_shared>>)
        tpu.yield
      }) : () -> ()
    }
    %scan3A_7 = arith.constant 50 : i32
    %mul3A_8 = arith.constant 128 : i32
    %mul3A_9 = arith.muli %arg1, %mul3A_8 : i32
    %mul3A_10 = arith.constant 128 : i32
    %mul3A_11 = arith.muli %add3A, %mul3A_10 : i32
    "tpu.region"() ({
      %run_scoped3A = tpu.sem_alloc : memref<!tpu.dma_semaphore, #tpu.memory_space<semaphore_mem>>
      %dma_start3A = arith.constant 0 : i32
      %dma_start3A_12 = tpu.memref_slice %arg6[%mul3A_11, %dma_start3A] : memref<4096x128xf32, #tpu.memory_space<hbm>> -> memref<128x128xf32, #tpu.memory_space<hbm>>
      %dma_start3A_13 = arith.constant 0 : i32
      %dma_start3A_14 = tpu.memref_slice %arg10[%mul3A_9, %dma_start3A_13] : memref<2048x128xf32, #tpu.memory_space<vmem_shared>> -> memref<128x128xf32, #tpu.memory_space<vmem_shared>>
      tpu.enqueue_dma source(%dma_start3A_14 : memref<128x128xf32, #tpu.memory_space<vmem_shared>>) target(%dma_start3A_12 : memref<128x128xf32, #tpu.memory_space<hbm>>) target_semaphore(%run_scoped3A : memref<!tpu.dma_semaphore, #tpu.memory_space<semaphore_mem>>)
      %dma_wait3A = arith.constant 0 : i32
      %dma_wait3A_15 = tpu.memref_slice %arg6[%mul3A_11, %dma_wait3A] : memref<4096x128xf32, #tpu.memory_space<hbm>> -> memref<128x128xf32, #tpu.memory_space<hbm>>
      %dma_wait3A_16 = arith.constant 0 : i32
      %dma_wait3A_17 = tpu.memref_slice %arg10[%mul3A_9, %dma_wait3A_16] : memref<2048x128xf32, #tpu.memory_space<vmem_shared>> -> memref<128x128xf32, #tpu.memory_space<vmem_shared>>
      tpu.wait_dma2 semaphore(%run_scoped3A : memref<!tpu.dma_semaphore, #tpu.memory_space<semaphore_mem>>) src(%dma_wait3A_17 : memref<128x128xf32, #tpu.memory_space<vmem_shared>>) dst(%dma_wait3A_15 : memref<128x128xf32, #tpu.memory_space<hbm>>)
      tpu.yield
    }) : () -> ()
    return
  }
}

module attributes {stable_mosaic.version = 14 : i64} {
  func.func @_lse_body(%arg0: i32, %arg1: memref<4096x128xbf16, #tpu.memory_space<vmem>>, %arg2: memref<512x128xbf16, #tpu.memory_space<vmem>>, %arg3: memref<1x512xf32, #tpu.memory_space<vmem>>, %arg4: memref<4096x1xf32, #tpu.memory_space<vmem>>, %arg5: memref<4096x512xbf16, #tpu.memory_space<vmem>>, %arg6: memref<4096x512xbf16, #tpu.memory_space<vmem>>, %arg7: memref<4096x128xf32, #tpu.memory_space<vmem>>) attributes {dimension_semantics = [#tpu.dimension_semantics<arbitrary>], iteration_bounds = array<i64: 196>, scalar_prefetch = 0 : i64, scratch_operands = 1 : i64, tpu.core_type = #tpu.core_type<tc>, window_params = [{pipeline_mode = #tpu.pipeline_mode<synchronous>, transform_indices = @transform_0, window_bounds = array<i64: 4096, 128>}, {transform_indices = @transform_1, window_bounds = array<i64: 512, 128>}, {transform_indices = @transform_2, window_bounds = array<i64: 1, 512>}, {pipeline_mode = #tpu.pipeline_mode<synchronous>, transform_indices = @transform_3, window_bounds = array<i64: 4096, 1>}, {transform_indices = @transform_4, window_bounds = array<i64: 4096, 512>}, {pipeline_mode = #tpu.pipeline_mode<synchronous>, transform_indices = @transform_5, window_bounds = array<i64: 4096, 512>}]} {
    %eq3A = arith.constant 0 : i32
    %eq3A_0 = arith.cmpi eq, %arg0, %eq3A : i32
    %convert_element_type3A = arith.extui %eq3A_0 : i1 to i32
    %cond3A = arith.constant 0 : i32
    %cond3A_1 = arith.cmpi ne, %convert_element_type3A, %cond3A : i32
    scf.if %cond3A_1 {
      %broadcast_in_dim3A = arith.constant 0.000000e+00 : f32
      %broadcast_in_dim3A_38 = vector.broadcast %broadcast_in_dim3A : f32 to vector<4096x128xf32>
      %swap3A_39 = arith.constant 0 : index
      %swap3A_40 = arith.constant 0 : index
      %swap3A_41 = vector.load %arg7[%swap3A_39, %swap3A_40] : memref<4096x128xf32, #tpu.memory_space<vmem>>, vector<4096x128xf32>
      tpu.vector_store %arg7[%swap3A_39, %swap3A_40], %broadcast_in_dim3A_38 {strides = array<i32>} : memref<4096x128xf32, #tpu.memory_space<vmem>>, vector<4096x128xf32>,
    } else {
    }
    %get3A = arith.constant 0 : index
    %get3A_2 = arith.constant 0 : index
    %get3A_3 = vector.load %arg1[%get3A, %get3A_2] : memref<4096x128xbf16, #tpu.memory_space<vmem>>, vector<4096x128xbf16>
    %get3A_4 = arith.constant 0 : index
    %get3A_5 = arith.constant 0 : index
    %get3A_6 = vector.load %arg2[%get3A_4, %get3A_5] : memref<512x128xbf16, #tpu.memory_space<vmem>>, vector<512x128xbf16>
    %dot_general3A = arith.constant dense<0.000000e+00> : vector<4096x512xf32>
    %dot_general3A_7 = tpu.matmul %get3A_3, %get3A_6, %dot_general3A {dimension_numbers = #tpu.dot_dimension_numbers<[1], [1], [0], [0], [0, 0, 1, 0], [], []>, transpose_lhs_hint = false} : vector<4096x128xbf16>, vector<512x128xbf16>, vector<4096x512xf32> -> vector<4096x512xf32>
    %get3A_8 = arith.constant 0 : index
    %get3A_9 = arith.constant 0 : index
    %get3A_10 = vector.load %arg3[%get3A_8, %get3A_9] : memref<1x512xf32, #tpu.memory_space<vmem>>, vector<1x512xf32>
    %add3A = vector.broadcast %get3A_10 : vector<1x512xf32> to vector<4096x512xf32>
    %add3A_11 = arith.addf %dot_general3A_7, %add3A : vector<4096x512xf32>
    %lt3A = arith.constant 195 : i32
    %lt3A_12 = arith.cmpi slt, %arg0, %lt3A : i32
    %convert_element_type3A_13 = arith.extui %lt3A_12 : i1 to i32
    %cond3A_14 = arith.constant 0 : i32
    %cond3A_15 = arith.cmpi ne, %convert_element_type3A_13, %cond3A_14 : i32
    scf.if %cond3A_15 {
      %convert_element_type3A_38 = arith.truncf %add3A_11 : vector<4096x512xf32> to vector<4096x512xbf16>
      %swap3A_39 = arith.constant 0 : index
      %swap3A_40 = arith.constant 0 : index
      %swap3A_41 = vector.load %arg5[%swap3A_39, %swap3A_40] : memref<4096x512xbf16, #tpu.memory_space<vmem>>, vector<4096x512xbf16>
      tpu.vector_store %arg5[%swap3A_39, %swap3A_40], %convert_element_type3A_38 {strides = array<i32>} : memref<4096x512xbf16, #tpu.memory_space<vmem>>, vector<4096x512xbf16>,
    } else {
    }
    %eq3A_16 = arith.constant 195 : i32
    %eq3A_17 = arith.cmpi eq, %arg0, %eq3A_16 : i32
    %convert_element_type3A_18 = arith.extui %eq3A_17 : i1 to i32
    %cond3A_19 = arith.constant 0 : i32
    %cond3A_20 = arith.cmpi ne, %convert_element_type3A_18, %cond3A_19 : i32
    scf.if %cond3A_20 {
      %convert_element_type3A_38 = arith.truncf %add3A_11 : vector<4096x512xf32> to vector<4096x512xbf16>
      %swap3A_39 = arith.constant 0 : index
      %swap3A_40 = arith.constant 0 : index
      %swap3A_41 = vector.load %arg6[%swap3A_39, %swap3A_40] : memref<4096x512xbf16, #tpu.memory_space<vmem>>, vector<4096x512xbf16>
      tpu.vector_store %arg6[%swap3A_39, %swap3A_40], %convert_element_type3A_38 {strides = array<i32>} : memref<4096x512xbf16, #tpu.memory_space<vmem>>, vector<4096x512xbf16>,
    } else {
    }
    %exp3A = math.exp %add3A_11 : vector<4096x512xf32>
    %slice3A = vector.extract_strided_slice %exp3A {offsets = [0, 0], sizes = [4096, 128], strides = [1, 1]} : vector<4096x512xf32> to vector<4096x128xf32>
    %slice3A_21 = vector.extract_strided_slice %exp3A {offsets = [0, 128], sizes = [4096, 128], strides = [1, 1]} : vector<4096x512xf32> to vector<4096x128xf32>
    %add3A_22 = arith.addf %slice3A, %slice3A_21 : vector<4096x128xf32>
    %slice3A_23 = vector.extract_strided_slice %exp3A {offsets = [0, 256], sizes = [4096, 128], strides = [1, 1]} : vector<4096x512xf32> to vector<4096x128xf32>
    %add3A_24 = arith.addf %add3A_22, %slice3A_23 : vector<4096x128xf32>
    %slice3A_25 = vector.extract_strided_slice %exp3A {offsets = [0, 384], sizes = [4096, 128], strides = [1, 1]} : vector<4096x512xf32> to vector<4096x128xf32>
    %add3A_26 = arith.addf %add3A_24, %slice3A_25 : vector<4096x128xf32>
    %get3A_27 = arith.constant 0 : index
    %get3A_28 = arith.constant 0 : index
    %get3A_29 = vector.load %arg7[%get3A_27, %get3A_28] : memref<4096x128xf32, #tpu.memory_space<vmem>>, vector<4096x128xf32>
    %add3A_30 = arith.addf %get3A_29, %add3A_26 : vector<4096x128xf32>
    %swap3A = arith.constant 0 : index
    %swap3A_31 = arith.constant 0 : index
    %swap3A_32 = vector.load %arg7[%swap3A, %swap3A_31] : memref<4096x128xf32, #tpu.memory_space<vmem>>, vector<4096x128xf32>
    tpu.vector_store %arg7[%swap3A, %swap3A_31], %add3A_30 {strides = array<i32>} : memref<4096x128xf32, #tpu.memory_space<vmem>>, vector<4096x128xf32>,
    %eq3A_33 = arith.constant 195 : i32
    %eq3A_34 = arith.cmpi eq, %arg0, %eq3A_33 : i32
    %convert_element_type3A_35 = arith.extui %eq3A_34 : i1 to i32
    %cond3A_36 = arith.constant 0 : i32
    %cond3A_37 = arith.cmpi ne, %convert_element_type3A_35, %cond3A_36 : i32
    scf.if %cond3A_37 {
      %get3A_38 = arith.constant 0 : index
      %get3A_39 = arith.constant 0 : index
      %get3A_40 = vector.load %arg7[%get3A_38, %get3A_39] : memref<4096x128xf32, #tpu.memory_space<vmem>>, vector<4096x128xf32>
      %reduce_sum3A = arith.constant dense<0.000000e+00> : vector<4096xf32>
      %reduce_sum3A_41 = vector.multi_reduction <add>, %get3A_40, %reduce_sum3A [1] : vector<4096x128xf32> to vector<4096xf32>
      %broadcast_in_dim3A = vector.shape_cast %reduce_sum3A_41 : vector<4096xf32> to vector<4096x1xf32>
      %log3A = math.log %broadcast_in_dim3A : vector<4096x1xf32>
      %swap3A_42 = arith.constant 0 : index
      %swap3A_43 = arith.constant 0 : index
      %swap3A_44 = vector.load %arg4[%swap3A_42, %swap3A_43] : memref<4096x1xf32, #tpu.memory_space<vmem>>, vector<4096x1xf32>
      tpu.vector_store %arg4[%swap3A_42, %swap3A_43], %log3A {strides = array<i32>} : memref<4096x1xf32, #tpu.memory_space<vmem>>, vector<4096x1xf32>,
    } else {
    }
    return
  }
  func.func @transform_0(%arg0: i32) -> (i32, i32) {
    %c0_i32 = arith.constant 0 : i32
    %c0_i32_0 = arith.constant 0 : i32
    %c0_i32_1 = arith.constant 0 : i32
    return %c0_i32, %c0_i32_0 : i32, i32
  }
  func.func @transform_1(%arg0: i32) -> (i32, i32) {
    %c0_i32 = arith.constant 0 : i32
    %c0_i32_0 = arith.constant 0 : i32
    return %arg0, %c0_i32 : i32, i32
  }
  func.func @transform_2(%arg0: i32) -> (i32, i32) {
    %c0_i32 = arith.constant 0 : i32
    %c0_i32_0 = arith.constant 0 : i32
    return %c0_i32, %arg0 : i32, i32
  }
  func.func @transform_3(%arg0: i32) -> (i32, i32) {
    %c0_i32 = arith.constant 0 : i32
    %c0_i32_0 = arith.constant 0 : i32
    %c0_i32_1 = arith.constant 0 : i32
    return %c0_i32, %c0_i32_0 : i32, i32
  }
  func.func @transform_4(%arg0: i32) -> (i32, i32) {
    %min3A = arith.constant 194 : i32
    %min3A_0 = arith.minsi %arg0, %min3A : i32
    %c0_i32 = arith.constant 0 : i32
    %c0_i32_1 = arith.constant 0 : i32
    return %c0_i32, %min3A_0 : i32, i32
  }
  func.func @transform_5(%arg0: i32) -> (i32, i32) {
    %c0_i32 = arith.constant 0 : i32
    %c0_i32_0 = arith.constant 0 : i32
    %c0_i32_1 = arith.constant 0 : i32
    return %c0_i32, %c0_i32_0 : i32, i32
  }
}

</mosaic_0001>

<sc_bundles>
// kernel: kernel.4.cloned.1.call-start
scs
__scs_entry_jumppad:
0x0: {  	(pc) =	sbr.rel $0x88, $3  }
0x1: {  	(tag) =	ssettag $0x0;
	lr =	simm.s32 $0x1  }
0x2: {  	[smem:$0x3F9D] =	sst lr;
	_ =	strace $0xD0000000  }
0x3: {  	_ = 	snop  }
0x4: {  	_ = 	snop  }
0x5: {  	_ = 	snop  }
0x6: {  	_ = 	snop  }
0x7: {  	_ = 	snop  }
__scs_overlays_trampoline_lowered:
0x8: {  	[smem:$0x3FAC] =	sst s0  }
0x9: {  	[smem:$0x3FAD] =	sst s1  }
0xa: {  	[smem:$0x3FAE] =	sst s2  }
0xb: {  	[smem:$0x3FAF] =	sst s3  }
0xc: {  	[smem:$0x3FB0] =	sst s4  }
0xd: {  	[smem:$0x3FB1] =	sst s5  }
0xe: {  	[smem:$0x3FB2] =	sst s6  }
0xf: {  	[smem:$0x3FB3] =	sst s7  }
0x10: {  	[smem:$0x3FB4] =	sst s8  }
0x11: {  	[smem:$0x3FB5] =	sst s9;
	s0 =	simm.s32 @!p0 $0x0  }
0x12: {  	s1 =	sld [smem:$0x3F9B];
	s0 =	simm.s32 @p0 $0x1  }
0x13: {  	[smem:$0x3FB6] =	sst s0;
	s0 =	simm.s32 @!p1 $0x0  }
0x14: {  	s2 =	sld [smem:$0x3F9A];
	s0 =	simm.s32 @p1 $0x1  }
0x15: {  	[smem:$0x3FB7] =	sst s0;
	s0 =	simm.s32 @!p2 $0x0  }
0x16: {  	s3 =	sld [smem:$0x3FDB];
	s0 =	simm.s32 @p2 $0x1  }
0x17: {  	s4 =	simm.s32 $0x1BF5;
	[smem:$0x3FB9] =	sst s0  }
0x18: {  	s0 =	sld [smem:$0x3F9C];
	_ =	swait.ge [sflag:s4], $0x0  }
0x19: {  	s7 =	sld [smem:$0x3F9D]  }
0x1a: {  	s8 =	sadd.s32 $0xFFFFE003, lr  }
0x1b: {  	s9 =	sadd.s32 $0xFFFFFEF7, lr;
	s5 =	simm.s32 $0xFFFFFFFF;
	p2 =	slt.u32 s8, $0xFFFFF086  }
0x1c: {  	p1 =	slt.u32 s9, $0xF7A;
	s5 =	simm.s32 @!p2 $0x0  }
0x1d: {  	s5 =	simm.s32 @p1 $0x1;
	p0 =	seq.s32 s7, s2  }
0x1e: {  	s7 =	smul.u32 @!p0 $0xF7A, s2;
	p2 =	seq.s32 @!p0 s5, $0x0  }
0x1f: {  	s9 =	smul.u32 $0xF7A, s1;
	s8 =	simm.s32 @!p0 $0x1BF5;
	p2 =	por !p2, p0  }
0x20: {  	[sflag:s8] =	ssyncset.s32 @!p0 $0xFFFFF086;
	s6 =	sadd.s32 @!p0 s3, s7;
	s7 =	simm.s32 @!p0 $0x108  }
0x21: {  	s3 =	sadd.s32 s3, s9;
	s6 =	sadd.s32 @!p0 $0x88, s6;
	s7 =	simm.s32 @p2 $0x1082  }
0x22: {  	[simem:s7], [sflag:s8] =	dma.local @!p0 [hbm:s6], $0xF7A  }
0x23: {  	s9 =	sor.u32 $0xD0000000, s2;
	s6 =	simm.s32 $0x108;
	_ =	swait.ge @!p0 [sflag:s8], $0x0  }
0x24: {  	s3 =	sadd.s32 $0x88, s3;
	s6 =	simm.s32 @!p1 $0x1082;
	[sflag:s4] =	ssyncset.s32 $0xFFFFF086  }
0x25: {  	[simem:s6], [sflag:s4] =	dma.local [hbm:s3], $0xF7A  }
0x26: {  	[smem:$0x3F9D] =	sst s1;
	(tag) =	ssettag s2;
	_ =	strace s9  }
0x27: {  	s1 =	sld [smem:$0x3FAD]  }
0x28: {  	s2 =	sld [smem:$0x3FAE]  }
0x29: {  	s4 =	sld [smem:$0x3FB0]  }
0x2a: {  	p0 =	seq.s32 s5, $0x0;
	s5 =	sld [smem:$0x3FB1]  }
0x2b: {  	s6 =	sld [smem:$0x3FB2]  }
0x2c: {  	s7 =	sld [smem:$0x3FB3]  }
0x2d: {  	s3 =	simm.s32 $0x108;
	s8 =	sld [smem:$0x3FB4]  }
0x2e: {  	s3 =	simm.s32 @!p0 $0x1082;
	s9 =	sld [smem:$0x3FB5]  }
0x2f: {  	lr =	sadd.s32 s0, s3;
	s0 =	sld [smem:$0x3FAC]  }
0x30: {  	s3 =	sld [smem:$0x3FAF]  }
0x31: {  	[smem:$0x3FB8] =	sst s10  }
0x32: {  	s10 =	sld [smem:$0x3FB6];
	_ =	sdelay $0x3  }
0x33: {  	p0 =	seq.s32 s10, $0x1;
	s10 =	sld [smem:$0x3FB8];
	_ =	sdelay $0x3  }
0x34: {  	[smem:$0x3FB8] =	sst s10  }
0x35: {  	s10 =	sld [smem:$0x3FB7];
	_ =	sdelay $0x3  }
0x36: {  	p1 =	seq.s32 s10, $0x1;
	s10 =	sld [smem:$0x3FB8];
	_ =	sdelay $0x3  }
0x37: {  	[smem:$0x3FB8] =	sst s10  }
0x38: {  	s10 =	sld [smem:$0x3FB9]  }
0x39: {  	_ = 	snop;
	(pc) =	sbr.ind lr, $3  }
0x3a: {  	_ = 	snop  }
0x3b: {  	_ = 	snop  }
0x3c: {  	p2 =	seq.s32 s10, $0x1;
	s10 =	sld [smem:$0x3FB8]  }
0x3d: {  	_ =	shalt  }
0x3e: {  	_ =	shalt  }
0x3f: {  	_ =	shalt  }
0x40: {  	_ =	shalt  }
0x41: {  	_ =	shalt  }
0x42: {  	_ =	shalt  }
0x43: {  	_ =	shalt  }
0x44: {  	_ =	shalt  }
0x45: {  	_ =	shalt  }
0x46: {  	_ =	shalt  }
0x47: {  	_ =	shalt  }
0x48: {  	_ =	shalt  }
0x49: {  	_ =	shalt  }
0x4a: {  	_ =	shalt  }
0x4b: {  	_ =	shalt  }
0x4c: {  	_ =	shalt  }
0x4d: {  	_ =	shalt  }
0x4e: {  	_ =	shalt  }
0x4f: {  	_ =	shalt  }
0x50: {  	_ =	shalt  }
0x51: {  	_ =	shalt  }
0x52: {  	_ =	shalt  }
0x53: {  	_ =	shalt  }
0x54: {  	_ =	shalt  }
0x55: {  	_ =	shalt  }
0x56: {  	_ =	shalt  }
0x57: {  	_ =	shalt  }
0x58: {  	_ =	shalt  }
0x59: {  	_ =	shalt  }
0x5a: {  	_ =	shalt  }
0x5b: {  	_ =	shalt  }
0x5c: {  	_ =	shalt  }
0x5d: {  	_ =	shalt  }
0x5e: {  	_ =	shalt  }
0x5f: {  	_ =	shalt  }
0x60: {  	_ =	shalt  }
0x61: {  	_ =	shalt  }
0x62: {  	_ =	shalt  }
0x63: {  	_ =	shalt  }
0x64: {  	_ =	shalt  }
0x65: {  	_ =	shalt  }
0x66: {  	_ =	shalt  }
0x67: {  	_ =	shalt  }
0x68: {  	_ =	shalt  }
0x69: {  	_ =	shalt  }
0x6a: {  	_ =	shalt  }
0x6b: {  	_ =	shalt  }
0x6c: {  	_ =	shalt  }
0x6d: {  	_ =	shalt  }
0x6e: {  	_ =	shalt  }
0x6f: {  	_ =	shalt  }
0x70: {  	_ =	shalt  }
0x71: {  	_ =	shalt  }
0x72: {  	_ =	shalt  }
0x73: {  	_ =	shalt  }
0x74: {  	_ =	shalt  }
0x75: {  	_ =	shalt  }
0x76: {  	_ =	shalt  }
0x77: {  	_ =	shalt  }
0x78: {  	_ =	shalt  }
0x79: {  	_ =	shalt  }
0x7a: {  	_ =	shalt  }
0x7b: {  	_ =	shalt  }
0x7c: {  	_ =	shalt  }
0x7d: {  	_ =	shalt  }
0x7e: {  	_ =	shalt  }
0x7f: {  	_ =	shalt  }
0x80: {  	_ =	shalt  }
0x81: {  	_ =	shalt  }
0x82: {  	_ =	shalt  }
0x83: {  	_ =	shalt  }
0x84: {  	_ =	shalt  }
0x85: {  	_ =	shalt  }
0x86: {  	_ =	shalt  }
0x87: {  	_ =	shalt  }
.Lfunc_end0:
.L_simem_size_0:
called_computation.1_lowered:
.L_overlay_start_0:
0x88: {  	s2 =	sld [smem:$0x3FD9]  }
0x89: {  	s3 =	sld [smem:$0x3FFE];
	_ =	sdelay $0x1  }
0x8a: {  	s1 =	srdreg.scid  }
0x8b: {  	s0 =	sand.u32 $0x1, s1  }
0x8c: {  	s17 =	sshll.u32 s0, $0xA;
	s2 =	sadd.s32 s3, s2  }
0x8d: {  	s2 =	sadd.s32 s2, s17  }
0x8e: {  	[smem:$0x3FC4] =	sst s2  }
0x8f: {  	_ = 	snop  }
0x90: {  	s2 =	sld [smem:$0x3FC8]  }
0x91: {  	s18 =	sld [smem:$0x3FD0];
	(tm) =	ssettm $0x1  }
0x92: {  	s4 =	sld [smem:$0x3FFB];
	_ =	sdelay $0x3  }
0x93: {  	_ =	strace s4  }
0x94: {  	s4 =	sld [smem:$0x3FFC];
	_ =	sdelay $0x3  }
0x95: {  	_ =	strace s4  }
0x96: {  	s4 =	sld [smem:$0x3FFD];
	_ =	sdelay $0x3  }
0x97: {  	_ =	strace s4  }
0x98: {  	_ =	strace $0x8FFFFFFF  }
0x99: {  	s19 =	sld [smem:$0x3FDB];
	_ =	sdelay $0x1  }
0x9a: {  	s5 =	simm.s32 $_scs_section_size  }
0x9b: {  	s6 =	simm.s32 $_size__tile_overlayer_lowered;
	s7 =	simm.s32 $_tile_overlayer_lowered  }
0x9c: {  	s22 =	simm.s32 $0x1BFF;
	s21 =	sshll.u32 s7, $0x1;
	s4 =	sadd.s32 s5, s19  }
0x9d: {  	s8 =	simm.s32 $0x0;
	s20 =	sshll.u32 s6, $0x1;
	s6 =	sadd.s32 s21, s4  }
0x9e: {  	[timem:s8], [sflag:s22] =	dma.local [hbm:s6], s20  }
0x9f: {  	_ =	swait.ge [sflag:s22], s20  }
0xa0: {  	s5 =	ssub.s32 $0x0, s20;
	[sflag:s22] =	ssyncset.done $0x0  }
0xa1: {  	[sflag:s22] =	ssyncadd.s32 s5;
	_ =	sdelay $0x1  }
0xa2: {  	s23 =	simm.s32 $0x1B8B  }
0xa3: {  	_ =	swait.ge [sflag:s23], $0x1  }
0xa4: {  	[sflag:s23] =	ssyncset.done $0x0  }
0xa5: {  	s25 =	simm.s32 $0x1B8E;
	s24 =	sld [smem:$0x3FFE];
	[sflag:s23] =	ssyncadd.s32 $0xFFFFFFFF  }
0xa6: {  	s26 =	simm.s32 $execute0_lowered;
	[smem:$0x3FD2] =	sst s25  }
0xa7: {  	s6 =	sshll.u32 s26, $0x1;
	_ =	strace $0x80000046;
	[dreg:$0x1] =	wrdreg $0xFFFFFFFF  }
0xa8: {  	s28 =	simm.s32 $_size_execute0_lowered;
	s4 =	sadd.s32 s4, s6;
	[dreg:$0x0] =	wrdreg $0x0  }
0xa9: {  	s6 =	sshll.u32 s28, $0x1;
	[dreg:$0x2] =	wrdreg s4  }
0xaa: {  	[dreg:$0x3] =	wrdreg s6  }
0xab: {  	[dreg:$0x4] =	wrdreg $0xC0  }
0xac: {  	_ =	task [dreg:s8], $0x5FFFF  }
0xad: {  	[dreg:$0x1] =	wrdreg $0xFFFFFFFF  }
0xae: {  	[dreg:$0x0] =	wrdreg $0x60  }
0xaf: {  	[dreg:$0x2] =	wrdreg s24  }
0xb0: {  	[dreg:$0x3] =	wrdreg s2  }
0xb1: {  	[dreg:$0x4] =	wrdreg s18  }
0xb2: {  	[dreg:$0x5] =	wrdreg $0x78000  }
0xb3: {  	[dreg:$0x6] =	wrdreg $0x9  }
0xb4: {  	_ =	task.clear_ibuf [dreg:s8], $0x7FFFF;
	_ =	strace $0x90000046  }
0xb5: {  	s29 =	simm.s32 $0x9;
	_ =	strace $0x80000048  }
0xb6: {  	_ =	swait.ge [sflag:s29], $0x1  }
0xb7: {  	[sflag:s29] =	ssyncadd.s32 $0xFFFFFFFF  }
0xb8: {  	_ =	strace $0x90000048  }
0xb9: {  	_ =	sfence  }
0xba: {  	s30 =	sld [smem:$0x0];
	_ =	sdelay $0x2  }
0xbb: {  	s31 =	sshll.u32 s1, $0xD;
	s1 =	sshrl.u32 s1, $0x2  }
0xbc: {  	s3 =	sand.u32 $0x4000, s31;
	s1 =	sadd.s32 s1, s30  }
0xbd: {  	s0 =	sor.u32 s3, s0;
	s1 =	sshll.u32 s1, $0x11  }
0xbe: {  	s0 =	sor.u32 s1, s0  }
0xbf: {  	s0 =	sadd.s32 $0x8F2B, s0  }
0xc0: {  	[sflag:s0] =	ssyncadd.remote.s32 $0x1  }
0xc1: {  	_ =	sfence.sel $0xFFFF  }
0xc2: {  	[dreg:$0x0] =	wrdreg $0xFFFFFFFF;
	(pc) =	sbr.abs _section_cstart, $3  }
0xc3: {  	[dreg:$0x1] =	wrdreg $0xFFFFFFFF  }
0xc4: {  	_ =	task.clear_ibuf [dreg:s8], $0x2FFFF;
	_ =	strace $0x9FFFFFFF  }
0xc5: {  	(tm) =	ssettm $0x7FFFFFFF  }
tec
execute0_lowered:
.L_overlay_start_1:
0x0: {  	(tag) =	ssettag $0x1  }
0x1: {  	s5 =	rddreg [dreg:$0x0]  }
0x2: {  	s1 =	rddreg [dreg:$0x1]  }
0x3: {  	s0 =	srdreg.scid;
	s8 =	rddreg [dreg:$0x2]  }
0x4: {  	s3 =	rddreg [dreg:$0x3];
	s4 =	simm.s32 $0x0;
	s14 =	simm.s32 $0x80  }
0x5: {  	s15 =	simm.s32 $0x3800;
	s16 =	simm.s32 $0x1;
	s17 =	simm.s32 $0x0  }
0x6: {  	s6 =	sand.u32 $0x1, s0;
	s0 =	stileid.u32;
	[smem:$0x7FF] =	sst s4  }
0x7: {  	s2 =	sshll.u32 s6, $0x4;
	s10 =	smul.u32 $0x380, s0;
	s6 =	ssub.s32 $0x2, s6  }
0x8: {  	s31 =	sshll.u32 s0, $0xE;
	s12 =	sshll.u32 s0, $0x6;
	s9 =	sor.u32 s0, s2  }
0x9: {  	s2 =	rddreg [dreg:$0x4];
	_ =	strace $0x80000047;
	s11 =	sshrl.u32 s6, $0x1  }
0xa: {  	s13 =	sadd.s32 s31, s3;
	s12 =	sor.u32 $0x1C02, s12;
	s7 =	smul.u32 $0x380, s9  }
0xb: {  	s10 =	sadd.s32 s10, s5;
	s11 =	ssub.s32 s6, s11;
	s9 =	sshll.u32 s9, $0xB  }
0xc: {  	s13 =	sshrl.u32 s13, $0x3;
	s8 =	sadd.s32 s8, s9;
	s9 =	smax.u32 s11, $0x1  }
0xd: {  	s11 =	simm.s32 $0x1C00;
	s7 =	sadd.s32 s7, s5;
	s5 =	sadd.s32 $0xB000, s5  }
0xe: {  	s6 =	sadd.s32 $0x800, s7;
	s7 =	sadd.s32 $0x7800, s10;
	s10 =	simm.s32 $0x2  }
.LBB2_1:
0xf: {  	[tilespmem:s4], [sflag:$0x2] =	stream.linear.gather [hbm4b:s6+s4], $0x1900, $0x38;
	[tilespmem:$0xB800] =	vst v63  }
0x10: {  	_ =	swait.ge [sflag:s10], $0x1900  }
0x11: {  	[sflag:s10] =	ssyncset.done $0x0  }
0x12: {  	[sflag:s10] =	ssyncadd.s32 $0xFFFFE700  }
0x13: {  	[tilespmem:s11], [sflag:$0x2] =	stream.linear.gather [hbm4b:s7+s4], $0x1900, $0x38;
	[tilespmem:$0xB800] =	vst v63  }
0x14: {  	_ =	swait.ge [sflag:s10], $0x1900  }
0x15: {  	[sflag:s10] =	ssyncset.done $0x0  }
0x16: {  	[sflag:s10] =	ssyncadd.s32 $0xFFFFE700  }
0x17: {  	[spmem:s13], [sflag:s12] =	dma.local [hbm:s5], $0x800  }
0x18: {  	_ =	swait.ge [sflag:s10], $0x800  }
0x19: {  	[sflag:s10] =	ssyncset.done $0x0  }
0x1a: {  	s18 =	simm.s32 $0x0;
	[sflag:s10] =	ssyncadd.s32 $0xFFFFF800  }
0x1b: {  	[tilespmem:s15], [sflag:$0x1] =	stream.indirect.gather [hbm4b:s1+s14], $0x80, s18, s14, $0xb8;
	[tilespmem:$0xB800] =	vst v63  }
0x1c: {  	_ =	swait.ge [sflag:s16], $0x4000  }
0x1d: {  	[sflag:s16] =	ssyncset.done $0x0  }
0x1e: {  	s31 =	simm.s32 $0x1C00;
	[sflag:s16] =	ssyncadd.s32 $0xFFFFC000  }
0x1f: {  	[spmem:s3] =	stream.indirect.scatter.add.f32 [tilespmem:s15], [sflag:$0x2], $0x80, s31, s14, $0xb8;
	[tilespmem:$0xB800] =	vst v63  }
0x20: {  	_ =	swait.ge [sflag:s10], $0x4000  }
0x21: {  	s19 =	simm.s32 $0x400;
	s18 =	simm.s32 $0x200;
	[sflag:s10] =	ssyncset.done $0x0  }
.LBB2_2:
0x22: {  	s20 =	sshra.s32 s18, $0x2  }
0x23: {  	[sflag:s10] =	ssyncadd.s32 $0xFFFFC000;
	s18 =	smov.u32 s19;
	s21 =	sadd.s32 $0x200, s19  }
0x24: {  	[tilespmem:s15], [sflag:$0x1] =	stream.indirect.gather [hbm4b:s1+s14], $0x80, s20, s14, $0xb8;
	[tilespmem:$0xB800] =	vst v63  }
0x25: {  	p0 =	sne.s32 s19, $0x6200;
	_ =	swait.ge [sflag:s16], $0x4000  }
.Ltmp0:
0x26: {  	[sflag:s16] =	ssyncset.done $0x0;
	(pc) =	sbr.rel @p0 .LBB2_2-.Ltmp0, $4  }
0x27: {  	s19 =	sadd.s32 $0x1C00, s20;
	[sflag:s16] =	ssyncadd.s32 $0xFFFFC000  }
0x28: {  	[spmem:s3] =	stream.indirect.scatter.add.f32 [tilespmem:s15], [sflag:$0x2], $0x80, s19, s14, $0xb8;
	[tilespmem:$0xB800] =	vst v63  }
0x29: {  	_ =	swait.ge [sflag:s10], $0x4000  }
0x2a: {  	s19 =	smov.u32 s21;
	[sflag:s10] =	ssyncset.done $0x0  }
0x2b: {  	s18 =	sshra.s32 s18, $0x2;
	[sflag:s10] =	ssyncadd.s32 $0xFFFFC000  }
0x2c: {  	[tilespmem:s15], [sflag:$0x1] =	stream.indirect.gather [hbm4b:s1+s14], $0x80, s18, s14, $0xb8;
	[tilespmem:$0xB800] =	vst v63  }
0x2d: {  	_ =	swait.ge [sflag:s16], $0x4000  }
0x2e: {  	[sflag:s16] =	ssyncset.done $0x0  }
0x2f: {  	s18 =	sadd.s32 $0x1C00, s18;
	[sflag:s16] =	ssyncadd.s32 $0xFFFFC000  }
0x30: {  	[spmem:s3] =	stream.indirect.scatter.add.f32 [tilespmem:s15], [sflag:$0x2], $0x80, s18, s14, $0xb8;
	[tilespmem:$0xB800] =	vst v63  }
0x31: {  	s17 =	sadd.s32 $0x1, s17;
	_ =	swait.ge [sflag:s10], $0x4000  }
0x32: {  	p0 =	sne.s32 s17, s9;
	[sflag:s10] =	ssyncset.done $0x0  }
.Ltmp1:
0x33: {  	[sflag:s10] =	ssyncadd.s32 $0xFFFFC000;
	(pc) =	sbr.rel @p0 .LBB2_1-.Ltmp1, $4  }
0x34: {  	[hbm:s8], [sflag:s12] =	dma.local [spmem:s13], $0x800  }
0x35: {  	_ =	swait.ge [sflag:s10], $0x800  }
0x36: {  	[sflag:s10] =	ssyncset.done $0x0  }
0x37: {  	[sflag:s10] =	ssyncadd.s32 $0xFFFFF800  }
0x38: {  	_ =	sfence.sel $0x180000  }
0x39: {  	[bflag:$0x0] =	sbarrier.arrive $0xFFFF  }
0x3a: {  	p0 =	sne.s32 s0, $0x0;
	_ =	strace $0x90000047  }
0x3b: {  	s0 =	sadd.s32 @!p0 $0x100000, s2;
	[bflag:$0x2] =	sbarrier.arrive $0xFFFF  }
0x3c: {  	[sflag:s0] =	ssyncadd.tile.s32 @!p0 $0x1;
	_ =	shalt  }
.Lfunc_end2:
_tile_overlayer_lowered:
.L_overlay_start_2:
0x3d: {  	(tag) =	ssettag $0x2  }
0x3e: {  	s0 =	rddreg [dreg:$0x0];
	s2 =	stileid.u32  }
0x3f: {  	s1 =	rddreg [dreg:$0x1];
	p0 =	sne.s32 s2, $0x0  }
0x40: {  	s3 =	rddreg [dreg:$0x2];
	[bflag:$0x3] =	sbarrier.arrive $0xFFFF;
	s2 =	simm.s32 @!p0 $0x1C02  }
0x41: {  	[timem:s3], [sflag:s2] =	dma.local @!p0 [hbm:s0], s1  }
0x42: {  	s0 =	simm.s32 @!p0 $0x2  }
0x43: {  	_ =	swait.ge @!p0 [sflag:s0], s1  }
0x44: {  	s1 =	ssub.s32 @!p0 $0x0, s1;
	[sflag:s0] =	ssyncset.done @!p0 $0x0  }
0x45: {  	[sflag:s0] =	ssyncadd.s32 @!p0 s1  }
0x46: {  	[bflag:$0x3] =	sbarrier.arrive $0xFFFF  }
0x47: {  	_ =	shalt  }

// kernel: sparse-core-data-format-call.cloned.1.call-start
scs
called_computation_lowered:
.L_overlay_start_0:
0x0: {  	s2 =	sld [smem:$0x3FD9]  }
0x1: {  	s3 =	sld [smem:$0x3FFE];
	_ =	sdelay $0x1  }
0x2: {  	s1 =	srdreg.scid  }
0x3: {  	s0 =	sand.u32 $0x1, s1  }
0x4: {  	s18 =	sshll.u32 s0, $0xA;
	s2 =	sadd.s32 s3, s2  }
0x5: {  	s2 =	sadd.s32 s2, s18  }
0x6: {  	[smem:$0x3FC4] =	sst s2  }
0x7: {  	_ = 	snop  }
0x8: {  	s2 =	sld [smem:$0x3FD0];
	(tm) =	ssettm $0x1  }
0x9: {  	s19 =	sld [smem:$0x3FFB];
	_ =	sdelay $0x3  }
0xa: {  	_ =	strace s19  }
0xb: {  	s3 =	sld [smem:$0x3FFC];
	_ =	sdelay $0x3  }
0xc: {  	_ =	strace s3  }
0xd: {  	s3 =	sld [smem:$0x3FFD];
	_ =	sdelay $0x3  }
0xe: {  	_ =	strace s3  }
0xf: {  	_ =	strace $0x8FFFFFFF  }
0x10: {  	s20 =	sld [smem:$0x3FDB];
	_ =	sdelay $0x1  }
0x11: {  	s4 =	simm.s32 $_scs_section_size  }
0x12: {  	s5 =	simm.s32 $_size__tile_overlayer_lowered;
	s6 =	simm.s32 $_tile_overlayer_lowered  }
0x13: {  	s23 =	simm.s32 $0x1BFF;
	s22 =	sshll.u32 s6, $0x1;
	s3 =	sadd.s32 s4, s20  }
0x14: {  	s7 =	simm.s32 $0x0;
	s21 =	sshll.u32 s5, $0x1;
	s5 =	sadd.s32 s22, s3  }
0x15: {  	[timem:s7], [sflag:s23] =	dma.local [hbm:s5], s21  }
0x16: {  	_ =	swait.ge [sflag:s23], s21  }
0x17: {  	s4 =	ssub.s32 $0x0, s21;
	[sflag:s23] =	ssyncset.done $0x0  }
0x18: {  	[sflag:s23] =	ssyncadd.s32 s4;
	_ =	sdelay $0x1  }
0x19: {  	s24 =	simm.s32 $0x1B8B  }
0x1a: {  	_ =	swait.ge [sflag:s24], $0x1  }
0x1b: {  	[sflag:s24] =	ssyncset.done $0x0  }
0x1c: {  	s26 =	simm.s32 $0x1B8E;
	s25 =	sld [smem:$0x3FFE];
	[sflag:s24] =	ssyncadd.s32 $0xFFFFFFFF  }
0x1d: {  	s27 =	simm.s32 $execute0_lowered;
	[smem:$0x3FD2] =	sst s26  }
0x1e: {  	s5 =	sshll.u32 s27, $0x1;
	_ =	strace $0x80000049;
	[dreg:$0x1] =	wrdreg $0xFFFFFFFF  }
0x1f: {  	s28 =	simm.s32 $_size_execute0_lowered;
	s3 =	sadd.s32 s3, s5;
	[dreg:$0x0] =	wrdreg $0x0  }
0x20: {  	s5 =	sshll.u32 s28, $0x1;
	[dreg:$0x2] =	wrdreg s3  }
0x21: {  	[dreg:$0x3] =	wrdreg s5  }
0x22: {  	[dreg:$0x4] =	wrdreg $0xC0  }
0x23: {  	_ =	task [dreg:s7], $0x5FFFF  }
0x24: {  	[dreg:$0x1] =	wrdreg $0xFFFFFFFF  }
0x25: {  	[dreg:$0x0] =	wrdreg $0x60  }
0x26: {  	[dreg:$0x2] =	wrdreg s25  }
0x27: {  	[dreg:$0x3] =	wrdreg s2  }
0x28: {  	[dreg:$0x4] =	wrdreg $0x9  }
0x29: {  	_ =	task.clear_ibuf [dreg:s7], $0x5FFFF;
	_ =	strace $0x90000049  }
0x2a: {  	s29 =	simm.s32 $0x9;
	_ =	strace $0x8000004B  }
0x2b: {  	_ =	swait.ge [sflag:s29], $0x1  }
0x2c: {  	[sflag:s29] =	ssyncadd.s32 $0xFFFFFFFF  }
0x2d: {  	_ =	strace $0x9000004B  }
0x2e: {  	_ =	sfence  }
0x2f: {  	s30 =	sld [smem:$0x0];
	_ =	sdelay $0x2  }
0x30: {  	s31 =	sshll.u32 s1, $0xD;
	s1 =	sshrl.u32 s1, $0x2  }
0x31: {  	s3 =	sand.u32 $0x4000, s31;
	s1 =	sadd.s32 s1, s30  }
0x32: {  	s0 =	sor.u32 s3, s0;
	s1 =	sshll.u32 s1, $0x11  }
0x33: {  	s0 =	sor.u32 s1, s0  }
0x34: {  	s0 =	sadd.s32 $0x8F2B, s0  }
0x35: {  	[sflag:s0] =	ssyncadd.remote.s32 $0x1  }
0x36: {  	_ =	sfence.sel $0xFFFF  }
0x37: {  	[dreg:$0x0] =	wrdreg $0xFFFFFFFF;
	(pc) =	sbr.abs _section_cstart, $3  }
0x38: {  	[dreg:$0x1] =	wrdreg $0xFFFFFFFF  }
0x39: {  	_ =	task.clear_ibuf [dreg:s7], $0x2FFFF;
	_ =	strace $0x9FFFFFFF  }
0x3a: {  	(tm) =	ssettm $0x7FFFFFFF  }
0x3b: {  	_ =	shalt  }
tec
execute0_lowered:
.L_overlay_start_1:
0x0: {  	(tag) =	ssettag $0x1  }
0x1: {  	s0 =	srdreg.scid  }
0x2: {  	s1 =	sshll.u32 s0, $0x4  }
0x3: {  	s6 =	rddreg [dreg:$0x0];
	s0 =	stileid.u32;
	s1 =	sand.u32 $0x10, s1  }
0x4: {  	s3 =	rddreg [dreg:$0x1];
	s1 =	sor.u32 s0, s1  }
0x5: {  	s5 =	simm.s32 $0x1;
	s31 =	simm.s32 $0x2;
	s2 =	sshll.u32 s1, $0x7  }
0x6: {  	s15 =	simm.s32 $0x0;
	s8 =	simm.s32 $0x8000;
	s4 =	ssub.s32 $0x1000, s2  }
0x7: {  	s14 =	simm.s32 $0x0;
	s9 =	simm.s32 $0x0;
	s30 =	sand.u32 $0xF80, s4  }
0x8: {  	s10 =	simm.s32 $0x0;
	s11 =	simm.s32 $0x0;
	p0 =	sne.s32 s30, $0x0  }
.Ltmp0:
0x9: {  	s7 =	sshrl.u32 s4, $0xC;
	s5 =	simm.s32 @!p0 $0x0;
	(pc) =	sbr.rel .LBB1_1-.Ltmp0, $4  }
0xa: {  	s13 =	simm.s32 $0x0;
	s1 =	rddreg [dreg:$0x2];
	s5 =	sadd.s32 s5, s7  }
0xb: {  	_ =	strace $0x8000004A;
	s4 =	simm.s32 $0x1;
	s5 =	smul.u32 $0x30E, s5  }
0xc: {  	s6 =	sadd.s32 $0x800, s6;
	s12 =	smov.u32 s2;
	[sflag:s4] =	ssyncpa.u1 $0x0  }
0xd: {  	[sflag:s31] =	ssyncpa.u1 $0x0;
	p0 =	por $0x0, $0x0;
	s7 =	sor.u32 $0x1, s5  }
.LBB1_4:
0xe: {  	s20 =	sshra.s32 s20, $0x2;
	s27 =	sshll.u32 s9, $0xC  }
0xf: {  	s21 =	sand.u32 $0x78, s10;
	s22 =	sshll.u32 s10, $0x3;
	s24 =	sshll.u32 s9, $0x7  }
0x10: {  	p1 =	sgt.s32 s9, $0x18620;
	s30 =	sshra.s32 s9, $0x1F;
	s25 =	sshra.s32 s10, $0x1F  }
0x11: {  	s19 =	sadd.s32 s20, s19;
	s20 =	sand.u32 $0xFFFF8000, s27;
	s23 =	sand.u32 $0xFFFFFC00, s22  }
0x12: {  	v5 =	vld [tilespmem:s17+$0xFFFFFFD0];
	[tilespmem:s18+$0x2040 ss:$0x81] =	vst.msk $0xffff, v4;
	s22 =	sand.u32 $0xC00, s22;
	s28 =	sand.u32 $0x380, s24;
	s31 =	sand.u32 s30, s9  }
0x13: {  	v58 =	vld [tilespmem:s17+$0xFFFFFFE0];
	[tilespmem:s18+$0x2850 ss:$0x81] =	vst.msk $0xffff, v3;
	s24 =	smov.u32 s10;
	s25 =	sand.u32 s25, s10;
	s21 =	sor.u32 s21, s22  }
0x14: {  	v59 =	vld [tilespmem:s17+$0xFFFFFFF0];
	[tilespmem:s18+$0x3060 ss:$0x81] =	vst.msk $0xffff, v2;
	s20 =	sadd.s32 s23, s20;
	s22 =	smov.u32 s9;
	s21 =	sor.u32 s28, s21  }
0x15: {  	v60 =	vld [tilespmem:s17+$0x0];
	[tilespmem:s18+$0x0 ss:$0x81] =	vst.msk $0xffff, v1;
	s20 =	sshrl.u32 s20, $0xC;
	s22 =	simm.s32 @!p1 $0x18620;
	p1 =	sgt.s32 s10, $0xF80  }
0x16: {  	v61 =	vld [tilespmem:s17+$0x10];
	[tilespmem:s19+$0x3870 ss:$0x81] =	vst.msk $0xffff, v0;
	s29 =	smulhi.u32 $0xA7C5B, s20;
	s18 =	ssub.s32 s22, s31;
	s24 =	simm.s32 @!p1 $0xF80  }
0x17: {  	v62 =	vld [tilespmem:s17+$0x20];
	[tilespmem:s19+$0x810 ss:$0x81] =	vst.msk $0xffff, v5;
	s22 =	ssub.s32 s24, s25;
	s26 =	sadd.s32 $0xFFFE79E0, s18;
	s18 =	ssub.s32 $0x186A0, s18  }
0x18: {  	v63 =	vld [tilespmem:s17+$0xFFFFFFC0];
	[tilespmem:s19+$0x1020 ss:$0x81] =	vst.msk $0xffff, v58;
	s23 =	sshrl.u32 s29, $0x4;
	p1 =	sgt.s32 s26, $0x7F;
	s28 =	sadd.s32 $0xFFFFF080, s22  }
0x19: {  	[tilespmem:s19+$0x1830 ss:$0x81] =	vst.msk $0xffff, v59;
	s22 =	ssub.s32 $0x1000, s22;
	s27 =	smul.u32 $0x186A0, s23;
	p2 =	sgt.s32 s28, $0x7F  }
0x1a: {  	s30 =	sand.u32 $0x7, s10;
	[tilespmem:s19+$0x2040 ss:$0x81] =	vst.msk $0xffff, v60;
	s18 =	simm.s32 @p1 $0x0;
	s22 =	simm.s32 @p2 $0x0  }
0x1b: {  	[tilespmem:s19+$0x2850 ss:$0x81] =	vst.msk $0xffff, v61;
	s29 =	sshrl.u32 s21, $0x3;
	s17 =	ssub.s32 s20, s27;
	s18 =	smul.u32 s22, s18  }
0x1c: {  	[tilespmem:s19+$0x3060 ss:$0x81] =	vst.msk $0xffff, v62;
	s21 =	sshll.u32 s30, $0x12;
	s20 =	sadd.s32 s3, s29;
	s17 =	sshll.u32 s17, $0x9  }
0x1d: {  	[tilespmem:s19+$0x0 ss:$0x81] =	vst.msk $0xffff, v63;
	s31 =	sor.u32 $0x400, s21;
	s18 =	sand.u32 $0x3FFFFFFF, s18;
	s17 =	sadd.s32 s17, s20  }
0x1e: {  	[hbm4b:s17+s31] =	stream.strided.scatter [tilespmem:s16], [sflag:$0x2], s18, s8, s31, $0x20;
	[tilespmem:$0x10100] =	vst v63  }
.LBB1_5:
0x1f: {  	p1 =	slt.u32 s13, $0x2  }
0x20: {  	s17 =	smov.u32 s15;
	p2 =	sgt.s32 @!p1 s15, $0x18620;
	s16 =	sshra.s32 @!p1 s15, $0x1F  }
0x21: {  	p3 =	sgt.s32 @!p1 s14, $0xF80;
	s18 =	sshra.s32 @!p1 s14, $0x1F;
	p2 =	por !p2, p1  }
0x22: {  	s15 =	sand.u32 @!p1 s16, s15;
	p3 =	por !p3, p1;
	s16 =	smov.u32 s14  }
0x23: {  	s14 =	sand.u32 @!p1 s18, s14;
	s17 =	simm.s32 @p2 $0x18620;
	s16 =	simm.s32 @p3 $0xF80  }
0x24: {  	s15 =	ssub.s32 @!p1 s17, s15;
	s14 =	ssub.s32 @!p1 s16, s14  }
0x25: {  	s18 =	smov.u32 s12;
	s16 =	sadd.s32 @!p1 $0xFFFE79E0, s15;
	s17 =	sadd.s32 @!p1 $0xFFFFF080, s14  }
0x26: {  	s15 =	ssub.s32 @!p1 $0x186A0, s15;
	p2 =	sgt.s32 @!p1 s16, $0x7F;
	p3 =	sgt.s32 @!p1 s17, $0x7F  }
0x27: {  	s14 =	ssub.s32 @!p1 $0x1000, s14;
	p2 =	por !p2, p1;
	p3 =	por !p3, p1  }
0x28: {  	s16 =	sadd.s32 $0x80, s11;
	s15 =	simm.s32 @!p2 $0x0;
	s14 =	simm.s32 @!p3 $0x0  }
0x29: {  	p2 =	sgt.s32 s16, $0x1869F;
	s14 =	smul.u32 @!p1 s14, s15;
	s15 =	sadd.s32 $0x1000, s12  }
0x2a: {  	s18 =	smov.u32 @p2 s15  }
0x2b: {  	s16 =	simm.s32 @p2 $0x0;
	p2 =	sgt.s32 s18, $0xFFF  }
0x2c: {  	s18 =	smov.u32 @p2 s2;
	p2 =	sne.s32 s13, s7  }
.Ltmp1:
0x2d: {  	p0 =	por !p0, !p0;
	s17 =	simm.s32 @!p1 $0x2;
	(pc) =	sbr.rel @!p2 .LBB1_6-.Ltmp1, $4  }
0x2e: {  	s15 =	smov.u32 s9;
	s9 =	smov.u32 s11;
	s14 =	sand.u32 @!p1 $0x3FFFFFFF, s14  }
0x2f: {  	s11 =	smov.u32 s16;
	_ =	swait.ge @!p1 [sflag:s17], s14;
	s19 =	ssub.s32 @!p1 $0x0, s14  }
0x30: {  	s14 =	smov.u32 s10;
	s13 =	sadd.s32 $0x1, s13;
	[sflag:s17] =	ssyncset.done @!p1 $0x0  }
0x31: {  	s10 =	smov.u32 s12;
	s12 =	smov.u32 s18;
	[sflag:s17] =	ssyncadd.s32 @!p1 s19  }
.LBB1_1:
0x32: {  	p1 =	sge.u32 s13, s5  }
0x33: {  	s16 =	sshrl.u32 @!p1 s12, $0x3  }
0x34: {  	s17 =	sshll.u32 @!p1 s11, $0x3;
	s16 =	smul.u32 @!p1 $0xC3800, s16  }
0x35: {  	s18 =	sshll.u32 @!p1 s12, $0x7;
	s17 =	sand.u32 @!p1 $0xFFFFFC00, s17  }
0x36: {  	s16 =	sadd.s32 @!p1 s16, s17;
	s17 =	sand.u32 @!p1 $0x380, s18  }
0x37: {  	s18 =	sand.u32 @!p1 $0x7F, s11;
	s16 =	sor.u32 @!p1 s17, s16  }
0x38: {  	s17 =	sor.u32 @!p1 s18, s16  }
0x39: {  	s18 =	smulhi.u32 @!p1 $0xA79C7B17, s17;
	_ =	sdelay $0x1  }
0x3a: {  	s16 =	smulhi.u32 @!p1 $0xA79C7B17, s16;
	s18 =	sshrl.u32 @!p1 s18, $0x10  }
0x3b: {  	s18 =	smul.u32 @!p1 $0x18700, s18  }
0x3c: {  	s31 =	sadd.s32 $0xFFFFFFFF, s13;
	s19 =	sxor.u32 @!p1 $0xFFFFFFFF, s13;
	s16 =	sshrl.u32 @!p1 s16, $0x10  }
0x3d: {  	s19 =	sshll.u32 @!p1 s19, $0xE;
	s16 =	sand.u32 @!p1 $0xFFF, s16;
	s17 =	ssub.s32 @!p1 s17, s18  }
0x3e: {  	s16 =	smul.u32 @!p1 $0x30E0, s16;
	s18 =	sshrl.u32 @!p1 s17, $0x3;
	s17 =	sand.u32 @!p1 $0x7, s17  }
0x3f: {  	s19 =	sand.u32 @!p1 $0x4000, s19;
	s18 =	sadd.s32 @!p1 s6, s18;
	s17 =	sshll.u32 @!p1 s17, $0x12  }
0x40: {  	s16 =	sadd.s32 @!p1 s16, s18;
	s17 =	sor.u32 @!p1 $0x400, s17;
	s18 =	simm.s32 @!p1 $0xC3800  }
0x41: {  	[tilespmem:s19], [sflag:$0x1] =	stream.strided.gather @!p1 [hbm4b:s16+s17], $0x4000, s18, s17, $0x38;
	[tilespmem:$0x10100] =	vst v63  }
0x42: {  	p1 =	sge.u32 s31, s5  }
.Ltmp2:
0x43: {  	_ = 	snop;
	(pc) =	sbr.rel @p1 .LBB1_5-.Ltmp2, $1  }
0x44: {  	_ =	sdelay $0x3  }
0x45: {  	s16 =	simm.s32 $0x1  }
0x46: {  	_ =	swait.ge [sflag:s4], $0x4000;
	s16 =	simm.s32 @!p0 $0x0  }
0x47: {  	[sflag:s4] =	ssyncset.done $0x0;
	s17 =	sshll.u32 s16, $0xE  }
0x48: {  	[sflag:s4] =	ssyncadd.s32 $0xFFFFC000;
	s17 =	sor.u32 $0x40, s17  }
0x49: {  	s16 =	smul.u32 $0x10200, s16;
	v0 =	vld [tilespmem:s17+$0x30]  }
0x4a: {  	v1 =	vld [tilespmem:s17+$0xFFFFFFD0]  }
0x4b: {  	s16 =	sshrl.u32 s16, $0x2;
	v5 =	vld [tilespmem:s17+$0xFFFFFFE0]  }
0x4c: {  	v6 =	vld [tilespmem:s17+$0xFFFFFFF0];
	s19 =	sor.u32 $0x8000, s16  }
0x4d: {  	s31 =	sand.u32 $0x1, s13;
	v4 =	vld [tilespmem:s17+$0x0];
	s18 =	sadd.s32 $0x0, s19  }
0x4e: {  	v3 =	vld [tilespmem:s17+$0x10];
	s16 =	smul.u32 $0x10200, s31;
	[tilespmem:s18+$0x3870 ss:$0x81] =	vst.msk $0xffff, v0  }
0x4f: {  	v2 =	vld [tilespmem:s17+$0x20];
	[tilespmem:s18+$0x810 ss:$0x81] =	vst.msk $0xffff, v1  }
0x50: {  	s16 =	sshrl.u32 s16, $0x2;
	v1 =	vld [tilespmem:s17+$0xFFFFFFC0];
	[tilespmem:s18+$0x1020 ss:$0x81] =	vst.msk $0xffff, v5;
	s17 =	sadd.s32 $0x80, s17  }
0x51: {  	s20 =	simm.s32 $0x4;
	s21 =	simm.s32 $0x8;
	s16 =	sor.u32 $0x8000, s16;
	[tilespmem:s18+$0x1830 ss:$0x81] =	vst.msk $0xffff, v6;
	v0 =	vld [tilespmem:s17+$0x30]  }
.LBB1_3:
0x52: {  	p1 =	sne.s32 s21, $0x1FC;
	v5 =	vld [tilespmem:s17+$0xFFFFFFD0];
	[tilespmem:s18+$0x2040 ss:$0x81] =	vst.msk $0xffff, v4  }
0x53: {  	v6 =	vld [tilespmem:s17+$0xFFFFFFE0];
	[tilespmem:s18+$0x2850 ss:$0x81] =	vst.msk $0xffff, v3  }
0x54: {  	s22 =	sshra.s32 s20, $0x2;
	s20 =	smov.u32 s21;
	v7 =	vld [tilespmem:s17+$0xFFFFFFF0];
	[tilespmem:s18+$0x3060 ss:$0x81] =	vst.msk $0xffff, v2  }
.Ltmp3:
0x55: {  	v4 =	vld [tilespmem:s17+$0x0];
	[tilespmem:s18+$0x0 ss:$0x81] =	vst.msk $0xffff, v1;
	s18 =	sadd.s32 s22, s19;
	(pc) =	sbr.rel @p1 .LBB1_3-.Ltmp3, $4  }
0x56: {  	v3 =	vld [tilespmem:s17+$0x10];
	[tilespmem:s18+$0x3870 ss:$0x81] =	vst.msk $0xffff, v0  }
0x57: {  	[tilespmem:s18+$0x810 ss:$0x81] =	vst.msk $0xffff, v5;
	v2 =	vld [tilespmem:s17+$0x20]  }
0x58: {  	v1 =	vld [tilespmem:s17+$0xFFFFFFC0];
	[tilespmem:s18+$0x1020 ss:$0x81] =	vst.msk $0xffff, v6;
	s17 =	sadd.s32 $0x80, s17  }
0x59: {  	s21 =	sadd.s32 $0x4, s21;
	v0 =	vld [tilespmem:s17+$0x30];
	[tilespmem:s18+$0x1830 ss:$0x81] =	vst.msk $0xffff, v7  }
.Ltmp4:
0x5a: {  	_ = 	snop;
	(pc) =	sbr.rel .LBB1_4-.Ltmp4, $1  }
0x5b: {  	_ =	sdelay $0x3  }
.LBB1_6:
0x5c: {  	_ =	sfence.sel $0x180000  }
0x5d: {  	s2 =	simm.s32 $0x1;
	[bflag:$0x0] =	sbarrier.arrive $0xFFFF  }
0x5e: {  	s31 =	simm.s32 $0x2;
	[sflag:s2] =	ssyncpa.u1 $0x1  }
0x5f: {  	[sflag:s31] =	ssyncpa.u1 $0x1  }
0x60: {  	p0 =	sne.s32 s0, $0x0;
	_ =	strace $0x9000004A  }
0x61: {  	s0 =	sadd.s32 @!p0 $0x100000, s1;
	[bflag:$0x2] =	sbarrier.arrive $0xFFFF  }
0x62: {  	[sflag:s0] =	ssyncadd.tile.s32 @!p0 $0x1;
	_ =	shalt  }
.Lfunc_end1:
_tile_overlayer_lowered:
.L_overlay_start_2:
0x63: {  	(tag) =	ssettag $0x2  }
0x64: {  	s0 =	rddreg [dreg:$0x0];
	s2 =	stileid.u32  }
0x65: {  	s1 =	rddreg [dreg:$0x1];
	p0 =	sne.s32 s2, $0x0  }
0x66: {  	s3 =	rddreg [dreg:$0x2];
	[bflag:$0x3] =	sbarrier.arrive $0xFFFF;
	s2 =	simm.s32 @!p0 $0x1C01  }
0x67: {  	[timem:s3], [sflag:s2] =	dma.local @!p0 [hbm:s0], s1  }
0x68: {  	s0 =	simm.s32 @!p0 $0x1  }
0x69: {  	_ =	swait.ge @!p0 [sflag:s0], s1  }
0x6a: {  	s1 =	ssub.s32 @!p0 $0x0, s1;
	[sflag:s0] =	ssyncset.done @!p0 $0x0  }
0x6b: {  	[sflag:s0] =	ssyncadd.s32 @!p0 s1  }
0x6c: {  	[bflag:$0x3] =	sbarrier.arrive $0xFFFF  }
0x6d: {  	_ =	shalt  }

</sc_bundles>
